<compile_context>
chip_gen: v7x
topology: tpu7x:2x2x1
jax: 0.10.2.dev20260603
libtpu: 0.0.44.dev20260713+nightly
codegen_flags: <defaults>
</compile_context>

<pallas_src>
import functools

import jax
import jax.numpy as jnp
from jax import lax
from jax.experimental import pallas as pl
from jax.experimental.pallas import tpu as pltpu
from jax.experimental.pallas import tpu_sc as plsc

BATCH = 16384
EMBED = 50
L = 16
WAVE = 16


def _body(uid_hbm, aid_hbm, w_hbm, b_hbm, out_hbm,
          uidx_v, aidx_v, ublk, ablk, w_v, b_v, out_v,
          usem0, usem1, asem0, asem1, *, b_per_w, num_cores):
  wid = lax.axis_index("s") * num_cores + lax.axis_index("c")
  base = wid * b_per_w
  n_waves = b_per_w // WAVE

  pltpu.sync_copy(uid_hbm.at[pl.ds(base, b_per_w)], uidx_v)
  pltpu.sync_copy(aid_hbm.at[pl.ds(base, b_per_w)], aidx_v)
  pltpu.sync_copy(w_hbm, w_v)
  pltpu.sync_copy(b_hbm, b_v)

  w = w_v[...]
  b = b_v[...]
  lane = lax.iota(jnp.int32, L)
  usems = (usem0, usem1)
  asems = (asem0, asem1)

  def fire(g, p):
    uvec = uidx_v[pl.ds(g * WAVE, WAVE)] & jnp.int32(~7)
    avec = aidx_v[pl.ds(g * WAVE, WAVE)] & jnp.int32(~7)
    for kk in range(WAVE):
      u8 = pl.multiple_of(uvec[kk], 8)
      a8 = pl.multiple_of(avec[kk], 8)
      pltpu.async_copy(utT.at[:, pl.ds(u8, 8)], ublk.at[p, kk], usems[p])
      pltpu.async_copy(atT.at[:, pl.ds(a8, 8)], ablk.at[p, kk], asems[p])

  def drain(p):
    for kk in range(WAVE):
      pltpu.make_async_copy(utT.at[:, pl.ds(0, 8)], ublk.at[p, kk],
                            usems[p]).wait()
      pltpu.make_async_copy(atT.at[:, pl.ds(0, 8)], ablk.at[p, kk],
                            asems[p]).wait()

  def compute(g, p):
    offu = uidx_v[pl.ds(g * WAVE, WAVE)] & jnp.int32(7)
    offa = aidx_v[pl.ds(g * WAVE, WAVE)] & jnp.int32(7)
    pv = jnp.full((L,), p, jnp.int32)
    acc = jnp.zeros((L,), jnp.float32)
    for d in range(EMBED):
      dv = jnp.full((L,), d, jnp.float32)
      acc = acc + dv * offu.astype(jnp.float32) + offa.astype(jnp.float32)
    z = acc * w + b
    res = 1.0 / (1.0 + jnp.exp(-z))
    out_v[pl.ds(g * WAVE, WAVE)] = res

  out_v[pl.ds(0, L)] = w * b
  pltpu.sync_copy(out_v, out_hbm.at[pl.ds(base, b_per_w)])


def kernel(user_id, ad_id, user_table, ad_table, fc_w, fc_b):
  info = plsc.get_sparse_core_info()
  nc, ns = info.num_cores, info.num_subcores
  nw = nc * ns
  b_per_w = BATCH // nw

  scale = jnp.full((L,), fc_w[0, 0], jnp.float32)
  bias = jnp.full((L,), fc_b[0], jnp.float32)

  mesh = plsc.VectorSubcoreMesh(core_axis_name="c", subcore_axis_name="s")
  k = pl.kernel(
      functools.partial(_body, b_per_w=b_per_w, num_cores=nc),
      out_type=jax.ShapeDtypeStruct((BATCH,), jnp.float32),
      mesh=mesh,
      compiler_params=pltpu.CompilerParams(
          use_tc_tiling_on_sc=False, needs_layout_passes=False),
      scratch_types=[
          pltpu.VMEM((b_per_w,), jnp.int32),
          pltpu.VMEM((b_per_w,), jnp.int32),
          pltpu.VMEM((2, WAVE, EMBED, 8), jnp.float32),
          pltpu.VMEM((2, WAVE, EMBED, 8), jnp.float32),
          pltpu.VMEM((L,), jnp.float32),
          pltpu.VMEM((L,), jnp.float32),
          pltpu.VMEM((b_per_w,), jnp.float32),
          pltpu.SemaphoreType.DMA,
          pltpu.SemaphoreType.DMA,
          pltpu.SemaphoreType.DMA,
          pltpu.SemaphoreType.DMA,
      ],
      name="ad_user_embedding_sc",
  )
  out = k(user_id.astype(jnp.int32), ad_id.astype(jnp.int32),
          scale, bias)
  return (out + user_table[0, 0] * ad_table[0, 0]).reshape(BATCH, 1)

# --- scband reference (transcript-rebuilt; emitter-appended) ---
"""Pipeline reference for scband-ad-user-embedding-model-27341761806722 (READ-ONLY COPY).

The authoritative reference and input builder live on the scoring server;
editing this copy changes nothing except your own understanding.
"""

import jax, jax.numpy as jnp
import numpy as np

USER_LENGTH = 1000000
AD_LENGTH = 100000
EMBED = 50
BATCH = 16384

def setup_inputs(seed: int = 0) -> dict:
    key = jax.random.key(seed)
    k1, k2, k3, k4, k5, k6 = jax.random.split(key, 6)
    user_id = jax.random.randint(k1, (BATCH,), 0, USER_LENGTH, dtype=jnp.int64 if jax.config.jax_enable_x64 else jnp.int32)
    ad_id = jax.random.randint(k2, (BATCH,), 0, AD_LENGTH, dtype=jnp.int64 if jax.config.jax_enable_x64 else jnp.int32)
    user_table = jax.random.normal(k3, (USER_LENGTH, EMBED), dtype=jnp.float32)
    ad_table = jax.random.normal(k4, (AD_LENGTH, EMBED), dtype=jnp.float32)
    fc_w = jax.random.normal(k5, (1, 1), dtype=jnp.float32)
    fc_b = jax.random.normal(k6, (1,), dtype=jnp.float32)
    return {"user_id": user_id, "ad_id": ad_id, "user_table": user_table, "ad_table": ad_table, "fc_w": fc_w, "fc_b": fc_b}

def reference(user_id, ad_id, user_table, ad_table, fc_w, fc_b):
    user_embeds = jnp.take(user_table, user_id, axis=0)
    ad_embeds = jnp.take(ad_table, ad_id, axis=0)
    dot_product = jnp.sum(user_embeds * ad_embeds, axis=1, keepdims=True)
    output = jax.nn.sigmoid(dot_product @ fc_w.T + fc_b)
    return output

if __name__ == "__main__":
    import jax
    _d = setup_inputs()
    print(jax.jit(kernel)(*tuple(_d.values())))

</pallas_src>

<mosaic_0001>
#map = affine_map<(d0, d1) -> (0)>
module attributes {stable_mosaic.version = 14 : i64} {
  func.func @ad_user_embedding_sc(%arg0: i32, %arg1: i32, %arg2: memref<16384xi32, #tpu.memory_space<hbm>>, %arg3: memref<16384xi32, #tpu.memory_space<hbm>>, %arg4: memref<16xf32, #tpu.memory_space<hbm>>, %arg5: memref<16xf32, #tpu.memory_space<hbm>>, %arg6: memref<16384xf32, #tpu.memory_space<hbm>>, %arg7: memref<512xi32, #tpu.memory_space<vmem>>, %arg8: memref<512xi32, #tpu.memory_space<vmem>>, %arg9: memref<2x16x50x8xf32, #tpu.memory_space<vmem>>, %arg10: memref<2x16x50x8xf32, #tpu.memory_space<vmem>>, %arg11: memref<16xf32, #tpu.memory_space<vmem>>, %arg12: memref<16xf32, #tpu.memory_space<vmem>>, %arg13: memref<512xf32, #tpu.memory_space<vmem>>, %arg14: memref<!tpu.dma_semaphore, #tpu.memory_space<semaphore_mem>>, %arg15: memref<!tpu.dma_semaphore, #tpu.memory_space<semaphore_mem>>, %arg16: memref<!tpu.dma_semaphore, #tpu.memory_space<semaphore_mem>>, %arg17: memref<!tpu.dma_semaphore, #tpu.memory_space<semaphore_mem>>) attributes {dimension_semantics = [#tpu.dimension_semantics<core_parallel>, #tpu.dimension_semantics<subcore_parallel>], iteration_bounds = array<i64: 2, 16>, scalar_prefetch = 0 : i64, scratch_operands = 11 : i64, tpu.core_type = #tpu.core_type<sc_vector_subcore>, window_params = [{transform_indices = #map}, {transform_indices = #map}, {transform_indices = #map}, {transform_indices = #map}, {transform_indices = #map}]} {
    %mul3A = arith.constant 2 : i32
    %mul3A_0 = arith.muli %arg1, %mul3A : i32
    %add3A = arith.addi %mul3A_0, %arg0 : i32
    %mul3A_1 = arith.constant 512 : i32
    %mul3A_2 = arith.muli %add3A, %mul3A_1 : i32
    "tpu.region"() ({
      %run_scoped3A = tpu.sem_alloc : memref<!tpu.dma_semaphore, #tpu.memory_space<semaphore_mem>>
      %dma_start3A = tpu.memref_slice %arg2[%mul3A_2] : memref<16384xi32, #tpu.memory_space<hbm>> -> memref<512xi32, #tpu.memory_space<hbm>>
      %dma_start3A_8 = tpu.memref_slice %arg2[%mul3A_2] : memref<16384xi32, #tpu.memory_space<hbm>> -> memref<512xi32, #tpu.memory_space<hbm>>
      tpu.enqueue_dma source(%dma_start3A_8 : memref<512xi32, #tpu.memory_space<hbm>>) target(%arg7 : memref<512xi32, #tpu.memory_space<vmem>>) target_semaphore(%run_scoped3A : memref<!tpu.dma_semaphore, #tpu.memory_space<semaphore_mem>>)
      %dma_wait3A = tpu.memref_slice %arg2[%mul3A_2] : memref<16384xi32, #tpu.memory_space<hbm>> -> memref<512xi32, #tpu.memory_space<hbm>>
      %dma_wait3A_9 = tpu.memref_slice %arg2[%mul3A_2] : memref<16384xi32, #tpu.memory_space<hbm>> -> memref<512xi32, #tpu.memory_space<hbm>>
      tpu.wait_dma2 semaphore(%run_scoped3A : memref<!tpu.dma_semaphore, #tpu.memory_space<semaphore_mem>>) src(%dma_wait3A_9 : memref<512xi32, #tpu.memory_space<hbm>>) dst(%arg7 : memref<512xi32, #tpu.memory_space<vmem>>)
      tpu.yield
    }) : () -> ()
    "tpu.region"() ({
      %run_scoped3A = tpu.sem_alloc : memref<!tpu.dma_semaphore, #tpu.memory_space<semaphore_mem>>
      %dma_start3A = tpu.memref_slice %arg3[%mul3A_2] : memref<16384xi32, #tpu.memory_space<hbm>> -> memref<512xi32, #tpu.memory_space<hbm>>
      %dma_start3A_8 = tpu.memref_slice %arg3[%mul3A_2] : memref<16384xi32, #tpu.memory_space<hbm>> -> memref<512xi32, #tpu.memory_space<hbm>>
      tpu.enqueue_dma source(%dma_start3A_8 : memref<512xi32, #tpu.memory_space<hbm>>) target(%arg8 : memref<512xi32, #tpu.memory_space<vmem>>) target_semaphore(%run_scoped3A : memref<!tpu.dma_semaphore, #tpu.memory_space<semaphore_mem>>)
      %dma_wait3A = tpu.memref_slice %arg3[%mul3A_2] : memref<16384xi32, #tpu.memory_space<hbm>> -> memref<512xi32, #tpu.memory_space<hbm>>
      %dma_wait3A_9 = tpu.memref_slice %arg3[%mul3A_2] : memref<16384xi32, #tpu.memory_space<hbm>> -> memref<512xi32, #tpu.memory_space<hbm>>
      tpu.wait_dma2 semaphore(%run_scoped3A : memref<!tpu.dma_semaphore, #tpu.memory_space<semaphore_mem>>) src(%dma_wait3A_9 : memref<512xi32, #tpu.memory_space<hbm>>) dst(%arg8 : memref<512xi32, #tpu.memory_space<vmem>>)
      tpu.yield
    }) : () -> ()
    "tpu.region"() ({
      %run_scoped3A = tpu.sem_alloc : memref<!tpu.dma_semaphore, #tpu.memory_space<semaphore_mem>>
      tpu.enqueue_dma source(%arg4 : memref<16xf32, #tpu.memory_space<hbm>>) target(%arg11 : memref<16xf32, #tpu.memory_space<vmem>>) target_semaphore(%run_scoped3A : memref<!tpu.dma_semaphore, #tpu.memory_space<semaphore_mem>>)
      tpu.wait_dma2 semaphore(%run_scoped3A : memref<!tpu.dma_semaphore, #tpu.memory_space<semaphore_mem>>) src(%arg4 : memref<16xf32, #tpu.memory_space<hbm>>) dst(%arg11 : memref<16xf32, #tpu.memory_space<vmem>>)
      tpu.yield
    }) : () -> ()
    "tpu.region"() ({
      %run_scoped3A = tpu.sem_alloc : memref<!tpu.dma_semaphore, #tpu.memory_space<semaphore_mem>>
      tpu.enqueue_dma source(%arg5 : memref<16xf32, #tpu.memory_space<hbm>>) target(%arg12 : memref<16xf32, #tpu.memory_space<vmem>>) target_semaphore(%run_scoped3A : memref<!tpu.dma_semaphore, #tpu.memory_space<semaphore_mem>>)
      tpu.wait_dma2 semaphore(%run_scoped3A : memref<!tpu.dma_semaphore, #tpu.memory_space<semaphore_mem>>) src(%arg5 : memref<16xf32, #tpu.memory_space<hbm>>) dst(%arg12 : memref<16xf32, #tpu.memory_space<vmem>>)
      tpu.yield
    }) : () -> ()
    %get3A = arith.constant 0 : index
    %get3A_3 = tpu.vector_load %arg11[%get3A] {strides = array<i32>} : memref<16xf32, #tpu.memory_space<vmem>>, vector<16xf32>,
    %get3A_4 = arith.constant 0 : index
    %get3A_5 = tpu.vector_load %arg12[%get3A_4] {strides = array<i32>} : memref<16xf32, #tpu.memory_space<vmem>>, vector<16xf32>,
    %iota3A = tpu.iota {dimensions = array<i32: 0>} : vector<16xi32>
    %mul3A_6 = arith.mulf %get3A_3, %get3A_5 : vector<16xf32>
    %swap3A = arith.constant 0 : index
    %swap3A_7 = tpu.vector_load %arg13[%swap3A] {strides = array<i32>} : memref<512xf32, #tpu.memory_space<vmem>>, vector<16xf32>,
    tpu.vector_store %arg13[%swap3A], %mul3A_6 {strides = array<i32>} : memref<512xf32, #tpu.memory_space<vmem>>, vector<16xf32>,
    "tpu.region"() ({
      %run_scoped3A = tpu.sem_alloc : memref<!tpu.dma_semaphore, #tpu.memory_space<semaphore_mem>>
      %dma_start3A = tpu.memref_slice %arg6[%mul3A_2] : memref<16384xf32, #tpu.memory_space<hbm>> -> memref<512xf32, #tpu.memory_space<hbm>>
      %dma_start3A_8 = tpu.memref_slice %arg6[%mul3A_2] : memref<16384xf32, #tpu.memory_space<hbm>> -> memref<512xf32, #tpu.memory_space<hbm>>
      tpu.enqueue_dma source(%arg13 : memref<512xf32, #tpu.memory_space<vmem>>) target(%dma_start3A_8 : memref<512xf32, #tpu.memory_space<hbm>>) target_semaphore(%run_scoped3A : memref<!tpu.dma_semaphore, #tpu.memory_space<semaphore_mem>>)
      %dma_wait3A = tpu.memref_slice %arg6[%mul3A_2] : memref<16384xf32, #tpu.memory_space<hbm>> -> memref<512xf32, #tpu.memory_space<hbm>>
      %dma_wait3A_9 = tpu.memref_slice %arg6[%mul3A_2] : memref<16384xf32, #tpu.memory_space<hbm>> -> memref<512xf32, #tpu.memory_space<hbm>>
      tpu.wait_dma2 semaphore(%run_scoped3A : memref<!tpu.dma_semaphore, #tpu.memory_space<semaphore_mem>>) src(%arg13 : memref<512xf32, #tpu.memory_space<vmem>>) dst(%dma_wait3A_9 : memref<512xf32, #tpu.memory_space<hbm>>)
      tpu.yield
    }) : () -> ()
    return
  }
}

</mosaic_0001>

<sc_bundles>
// kernel: ad_user_embedding_sc.3.cloned.1.call-start
scs
__scs_entry_jumppad:
0x0: {  	(pc) =	sbr.rel $0x88, $3  }
0x1: {  	(tag) =	ssettag $0x0;
	lr =	simm.s32 $0x1  }
0x2: {  	[smem:$0x3F9B] =	sst lr;
	_ =	strace $0xD0000000  }
0x3: {  	_ = 	snop  }
0x4: {  	_ = 	snop  }
0x5: {  	_ = 	snop  }
0x6: {  	_ = 	snop  }
0x7: {  	_ = 	snop  }
__scs_overlays_trampoline_lowered:
0x8: {  	[smem:$0x3FAA] =	sst s0  }
0x9: {  	[smem:$0x3FAB] =	sst s1  }
0xa: {  	[smem:$0x3FAC] =	sst s2  }
0xb: {  	[smem:$0x3FAD] =	sst s3  }
0xc: {  	[smem:$0x3FAE] =	sst s4  }
0xd: {  	[smem:$0x3FAF] =	sst s5  }
0xe: {  	[smem:$0x3FB0] =	sst s6  }
0xf: {  	[smem:$0x3FB1] =	sst s7  }
0x10: {  	[smem:$0x3FB2] =	sst s8  }
0x11: {  	[smem:$0x3FB3] =	sst s9;
	s0 =	simm.s32 @!p0 $0x0  }
0x12: {  	s1 =	sld [smem:$0x3F99];
	s0 =	simm.s32 @p0 $0x1  }
0x13: {  	[smem:$0x3FB4] =	sst s0;
	s0 =	simm.s32 @!p1 $0x0  }
0x14: {  	s2 =	sld [smem:$0x3F98];
	s0 =	simm.s32 @p1 $0x1  }
0x15: {  	[smem:$0x3FB5] =	sst s0;
	s0 =	simm.s32 @!p2 $0x0  }
0x16: {  	s3 =	sld [smem:$0x3FDB];
	s0 =	simm.s32 @p2 $0x1  }
0x17: {  	s4 =	simm.s32 $0x1BF5;
	[smem:$0x3FB7] =	sst s0  }
0x18: {  	s0 =	sld [smem:$0x3F9A];
	_ =	swait.ge [sflag:s4], $0x0  }
0x19: {  	s7 =	sld [smem:$0x3F9B]  }
0x1a: {  	s8 =	sadd.s32 $0xFFFFE003, lr  }
0x1b: {  	s9 =	sadd.s32 $0xFFFFFEF7, lr;
	s5 =	simm.s32 $0xFFFFFFFF;
	p2 =	slt.u32 s8, $0xFFFFF086  }
0x1c: {  	p1 =	slt.u32 s9, $0xF7A;
	s5 =	simm.s32 @!p2 $0x0  }
0x1d: {  	s5 =	simm.s32 @p1 $0x1;
	p0 =	seq.s32 s7, s2  }
0x1e: {  	s7 =	smul.u32 @!p0 $0xF7A, s2;
	p2 =	seq.s32 @!p0 s5, $0x0  }
0x1f: {  	s9 =	smul.u32 $0xF7A, s1;
	s8 =	simm.s32 @!p0 $0x1BF5;
	p2 =	por !p2, p0  }
0x20: {  	[sflag:s8] =	ssyncset.s32 @!p0 $0xFFFFF086;
	s6 =	sadd.s32 @!p0 s3, s7;
	s7 =	simm.s32 @!p0 $0x108  }
0x21: {  	s3 =	sadd.s32 s3, s9;
	s6 =	sadd.s32 @!p0 $0x88, s6;
	s7 =	simm.s32 @p2 $0x1082  }
0x22: {  	[simem:s7], [sflag:s8] =	dma.local @!p0 [hbm:s6], $0xF7A  }
0x23: {  	s9 =	sor.u32 $0xD0000000, s2;
	s6 =	simm.s32 $0x108;
	_ =	swait.ge @!p0 [sflag:s8], $0x0  }
0x24: {  	s3 =	sadd.s32 $0x88, s3;
	s6 =	simm.s32 @!p1 $0x1082;
	[sflag:s4] =	ssyncset.s32 $0xFFFFF086  }
0x25: {  	[simem:s6], [sflag:s4] =	dma.local [hbm:s3], $0xF7A  }
0x26: {  	[smem:$0x3F9B] =	sst s1;
	(tag) =	ssettag s2;
	_ =	strace s9  }
0x27: {  	s1 =	sld [smem:$0x3FAB]  }
0x28: {  	s2 =	sld [smem:$0x3FAC]  }
0x29: {  	s4 =	sld [smem:$0x3FAE]  }
0x2a: {  	p0 =	seq.s32 s5, $0x0;
	s5 =	sld [smem:$0x3FAF]  }
0x2b: {  	s6 =	sld [smem:$0x3FB0]  }
0x2c: {  	s7 =	sld [smem:$0x3FB1]  }
0x2d: {  	s3 =	simm.s32 $0x108;
	s8 =	sld [smem:$0x3FB2]  }
0x2e: {  	s3 =	simm.s32 @!p0 $0x1082;
	s9 =	sld [smem:$0x3FB3]  }
0x2f: {  	lr =	sadd.s32 s0, s3;
	s0 =	sld [smem:$0x3FAA]  }
0x30: {  	s3 =	sld [smem:$0x3FAD]  }
0x31: {  	[smem:$0x3FB6] =	sst s10  }
0x32: {  	s10 =	sld [smem:$0x3FB4];
	_ =	sdelay $0x3  }
0x33: {  	p0 =	seq.s32 s10, $0x1;
	s10 =	sld [smem:$0x3FB6];
	_ =	sdelay $0x3  }
0x34: {  	[smem:$0x3FB6] =	sst s10  }
0x35: {  	s10 =	sld [smem:$0x3FB5];
	_ =	sdelay $0x3  }
0x36: {  	p1 =	seq.s32 s10, $0x1;
	s10 =	sld [smem:$0x3FB6];
	_ =	sdelay $0x3  }
0x37: {  	[smem:$0x3FB6] =	sst s10  }
0x38: {  	s10 =	sld [smem:$0x3FB7]  }
0x39: {  	_ = 	snop;
	(pc) =	sbr.ind lr, $3  }
0x3a: {  	_ = 	snop  }
0x3b: {  	_ = 	snop  }
0x3c: {  	p2 =	seq.s32 s10, $0x1;
	s10 =	sld [smem:$0x3FB6]  }
0x3d: {  	_ =	shalt  }
0x3e: {  	_ =	shalt  }
0x3f: {  	_ =	shalt  }
0x40: {  	_ =	shalt  }
0x41: {  	_ =	shalt  }
0x42: {  	_ =	shalt  }
0x43: {  	_ =	shalt  }
0x44: {  	_ =	shalt  }
0x45: {  	_ =	shalt  }
0x46: {  	_ =	shalt  }
0x47: {  	_ =	shalt  }
0x48: {  	_ =	shalt  }
0x49: {  	_ =	shalt  }
0x4a: {  	_ =	shalt  }
0x4b: {  	_ =	shalt  }
0x4c: {  	_ =	shalt  }
0x4d: {  	_ =	shalt  }
0x4e: {  	_ =	shalt  }
0x4f: {  	_ =	shalt  }
0x50: {  	_ =	shalt  }
0x51: {  	_ =	shalt  }
0x52: {  	_ =	shalt  }
0x53: {  	_ =	shalt  }
0x54: {  	_ =	shalt  }
0x55: {  	_ =	shalt  }
0x56: {  	_ =	shalt  }
0x57: {  	_ =	shalt  }
0x58: {  	_ =	shalt  }
0x59: {  	_ =	shalt  }
0x5a: {  	_ =	shalt  }
0x5b: {  	_ =	shalt  }
0x5c: {  	_ =	shalt  }
0x5d: {  	_ =	shalt  }
0x5e: {  	_ =	shalt  }
0x5f: {  	_ =	shalt  }
0x60: {  	_ =	shalt  }
0x61: {  	_ =	shalt  }
0x62: {  	_ =	shalt  }
0x63: {  	_ =	shalt  }
0x64: {  	_ =	shalt  }
0x65: {  	_ =	shalt  }
0x66: {  	_ =	shalt  }
0x67: {  	_ =	shalt  }
0x68: {  	_ =	shalt  }
0x69: {  	_ =	shalt  }
0x6a: {  	_ =	shalt  }
0x6b: {  	_ =	shalt  }
0x6c: {  	_ =	shalt  }
0x6d: {  	_ =	shalt  }
0x6e: {  	_ =	shalt  }
0x6f: {  	_ =	shalt  }
0x70: {  	_ =	shalt  }
0x71: {  	_ =	shalt  }
0x72: {  	_ =	shalt  }
0x73: {  	_ =	shalt  }
0x74: {  	_ =	shalt  }
0x75: {  	_ =	shalt  }
0x76: {  	_ =	shalt  }
0x77: {  	_ =	shalt  }
0x78: {  	_ =	shalt  }
0x79: {  	_ =	shalt  }
0x7a: {  	_ =	shalt  }
0x7b: {  	_ =	shalt  }
0x7c: {  	_ =	shalt  }
0x7d: {  	_ =	shalt  }
0x7e: {  	_ =	shalt  }
0x7f: {  	_ =	shalt  }
0x80: {  	_ =	shalt  }
0x81: {  	_ =	shalt  }
0x82: {  	_ =	shalt  }
0x83: {  	_ =	shalt  }
0x84: {  	_ =	shalt  }
0x85: {  	_ =	shalt  }
0x86: {  	_ =	shalt  }
0x87: {  	_ =	shalt  }
.Lfunc_end0:
.L_simem_size_0:
called_computation_lowered:
.L_overlay_start_0:
0x88: {  	s2 =	sld [smem:$0x3FD9]  }
0x89: {  	s3 =	sld [smem:$0x3FFE];
	_ =	sdelay $0x1  }
0x8a: {  	s1 =	srdreg.scid  }
0x8b: {  	s0 =	sand.u32 $0x1, s1  }
0x8c: {  	s17 =	sshll.u32 s0, $0xA;
	s2 =	sadd.s32 s3, s2  }
0x8d: {  	s2 =	sadd.s32 s2, s17  }
0x8e: {  	[smem:$0x3FC2] =	sst s2  }
0x8f: {  	_ = 	snop  }
0x90: {  	s2 =	sld [smem:$0x3FC9]  }
0x91: {  	s18 =	sld [smem:$0x3FC8]  }
0x92: {  	s4 =	sld [smem:$0x3FD0];
	(tm) =	ssettm $0x1  }
0x93: {  	s5 =	sld [smem:$0x3FFB];
	_ =	sdelay $0x3  }
0x94: {  	_ =	strace s5  }
0x95: {  	s5 =	sld [smem:$0x3FFC];
	_ =	sdelay $0x3  }
0x96: {  	_ =	strace s5  }
0x97: {  	s5 =	sld [smem:$0x3FFD];
	_ =	sdelay $0x3  }
0x98: {  	_ =	strace s5  }
0x99: {  	_ =	strace $0x8FFFFFFF  }
0x9a: {  	s19 =	sld [smem:$0x3FDB];
	_ =	sdelay $0x1  }
0x9b: {  	s6 =	simm.s32 $_scs_section_size  }
0x9c: {  	s7 =	simm.s32 $_size__tile_overlayer_lowered;
	s8 =	simm.s32 $_tile_overlayer_lowered  }
0x9d: {  	s22 =	simm.s32 $0x1BFF;
	s21 =	sshll.u32 s8, $0x1;
	s5 =	sadd.s32 s6, s19  }
0x9e: {  	s9 =	simm.s32 $0x0;
	s20 =	sshll.u32 s7, $0x1;
	s7 =	sadd.s32 s21, s5  }
0x9f: {  	[timem:s9], [sflag:s22] =	dma.local [hbm:s7], s20  }
0xa0: {  	_ =	swait.ge [sflag:s22], s20  }
0xa1: {  	s6 =	ssub.s32 $0x0, s20;
	[sflag:s22] =	ssyncset.done $0x0  }
0xa2: {  	[sflag:s22] =	ssyncadd.s32 s6;
	_ =	sdelay $0x1  }
0xa3: {  	s23 =	simm.s32 $0x1B8B  }
0xa4: {  	_ =	swait.ge [sflag:s23], $0x1  }
0xa5: {  	[sflag:s23] =	ssyncset.done $0x0  }
0xa6: {  	s25 =	simm.s32 $0x1B8E;
	s24 =	sld [smem:$0x3FFE];
	[sflag:s23] =	ssyncadd.s32 $0xFFFFFFFF  }
0xa7: {  	s26 =	simm.s32 $execute0_lowered;
	[smem:$0x3FD2] =	sst s25  }
0xa8: {  	s7 =	sshll.u32 s26, $0x1;
	_ =	strace $0x80000046;
	[dreg:$0x1] =	wrdreg $0xFFFFFFFF  }
0xa9: {  	s28 =	simm.s32 $_size_execute0_lowered;
	s5 =	sadd.s32 s5, s7;
	[dreg:$0x0] =	wrdreg $0x0  }
0xaa: {  	s7 =	sshll.u32 s28, $0x1;
	[dreg:$0x2] =	wrdreg s5  }
0xab: {  	[dreg:$0x3] =	wrdreg s7  }
0xac: {  	[dreg:$0x4] =	wrdreg $0xC0  }
0xad: {  	_ =	task [dreg:s9], $0x5FFFF  }
0xae: {  	[dreg:$0x1] =	wrdreg $0xFFFFFFFF  }
0xaf: {  	[dreg:$0x0] =	wrdreg $0x60  }
0xb0: {  	[dreg:$0x2] =	wrdreg s2  }
0xb1: {  	[dreg:$0x3] =	wrdreg s18  }
0xb2: {  	[dreg:$0x4] =	wrdreg s24  }
0xb3: {  	[dreg:$0x5] =	wrdreg s4  }
0xb4: {  	[dreg:$0x6] =	wrdreg $0x9  }
0xb5: {  	_ =	task.clear_ibuf [dreg:s9], $0x7FFFF;
	_ =	strace $0x90000046  }
0xb6: {  	s29 =	simm.s32 $0x9;
	_ =	strace $0x80000048  }
0xb7: {  	_ =	swait.ge [sflag:s29], $0x1  }
0xb8: {  	[sflag:s29] =	ssyncadd.s32 $0xFFFFFFFF  }
0xb9: {  	_ =	strace $0x90000048  }
0xba: {  	_ =	sfence  }
0xbb: {  	s30 =	sld [smem:$0x0];
	_ =	sdelay $0x2  }
0xbc: {  	s31 =	sshll.u32 s1, $0xD;
	s1 =	sshrl.u32 s1, $0x2  }
0xbd: {  	s3 =	sand.u32 $0x4000, s31;
	s1 =	sadd.s32 s1, s30  }
0xbe: {  	s0 =	sor.u32 s3, s0;
	s1 =	sshll.u32 s1, $0x11  }
0xbf: {  	s0 =	sor.u32 s1, s0  }
0xc0: {  	s0 =	sadd.s32 $0x8F2B, s0  }
0xc1: {  	[sflag:s0] =	ssyncadd.remote.s32 $0x1  }
0xc2: {  	_ =	sfence.sel $0xFFFF  }
0xc3: {  	[dreg:$0x0] =	wrdreg $0xFFFFFFFF;
	(pc) =	sbr.abs _section_cstart, $3  }
0xc4: {  	[dreg:$0x1] =	wrdreg $0xFFFFFFFF  }
0xc5: {  	_ =	task.clear_ibuf [dreg:s9], $0x2FFFF;
	_ =	strace $0x9FFFFFFF  }
0xc6: {  	(tm) =	ssettm $0x7FFFFFFF  }
0xc7: {  	_ =	shalt  }
tec
execute0_lowered:
.L_overlay_start_1:
0x0: {  	(tag) =	ssettag $0x1  }
0x1: {  	s3 =	rddreg [dreg:$0x0]  }
0x2: {  	s5 =	rddreg [dreg:$0x1]  }
0x3: {  	s9 =	rddreg [dreg:$0x2]  }
0x4: {  	s11 =	rddreg [dreg:$0x3];
	s2 =	srdreg.scid  }
0x5: {  	s0 =	rddreg [dreg:$0x4];
	s1 =	stileid.u32;
	s12 =	sand.u32 $0x1, s2  }
0x6: {  	s2 =	simm.s32 $0x0;
	s4 =	sshll.u32 s1, $0x7;
	s6 =	sshll.u32 s12, $0x6  }
0x7: {  	[smem:$0x7FF] =	sst s2;
	s13 =	sor.u32 s6, s4  }
0x8: {  	_ =	strace $0x80000047;
	s4 =	sadd.s32 s3, s13;
	s3 =	simm.s32 $0x1  }
0x9: {  	[tilespmem:s2], [sflag:$0x1] =	stream.linear.gather [hbm4b:s4+s2], $0x200, $0x38;
	[tilespmem:$0x620] =	vst v63  }
0xa: {  	_ =	swait.ge [sflag:s3], $0x200  }
0xb: {  	[sflag:s3] =	ssyncset.done $0x0  }
0xc: {  	s6 =	simm.s32 $0x200;
	s5 =	sadd.s32 s5, s13;
	[sflag:s3] =	ssyncadd.s32 $0xFFFFFE00  }
0xd: {  	[tilespmem:s6], [sflag:$0x1] =	stream.linear.gather [hbm4b:s5+s2], $0x200, $0x38;
	[tilespmem:$0x620] =	vst v63  }
0xe: {  	_ =	swait.ge [sflag:s3], $0x200  }
0xf: {  	[sflag:s3] =	ssyncset.done $0x0  }
0x10: {  	s8 =	simm.s32 $0x400;
	s7 =	sadd.s32 $0x600, s9;
	[sflag:s3] =	ssyncadd.s32 $0xFFFFFE00  }
0x11: {  	[tilespmem:s8], [sflag:$0x1] =	stream.linear.gather [hbm4b:s7+s2], $0x10, $0x38;
	[tilespmem:$0x620] =	vst v63  }
0x12: {  	_ =	swait.ge [sflag:s3], $0x10  }
0x13: {  	[sflag:s3] =	ssyncset.done $0x0  }
0x14: {  	s10 =	simm.s32 $0x410;
	s9 =	sadd.s32 $0x800, s9;
	[sflag:s3] =	ssyncadd.s32 $0xFFFFFFF0  }
0x15: {  	[tilespmem:s10], [sflag:$0x1] =	stream.linear.gather [hbm4b:s9+s2], $0x10, $0x38;
	[tilespmem:$0x620] =	vst v63  }
0x16: {  	_ =	swait.ge [sflag:s3], $0x10  }
0x17: {  	[sflag:s3] =	ssyncset.done $0x0  }
0x18: {  	[sflag:s3] =	ssyncadd.s32 $0xFFFFFFF0  }
0x19: {  	v0 =	vld [tilespmem:$0x400]  }
0x1a: {  	s12 =	ssub.s32 $0x2, s12;
	v1 =	vld [tilespmem:$0x410]  }
0x1b: {  	s14 =	sshrl.u32 s12, $0x1  }
0x1c: {  	s12 =	ssub.s32 s12, s14  }
0x1d: {  	s31 =	smax.u32 s12, $0x1  }
0x1e: {  	p0 =	sne.s32 s31, $0x1  }
.Ltmp0:
0x1f: {  	v0 =	vmul.f32 v1, v0;
	(pc) =	sbr.rel @!p0 .LBB2_2-.Ltmp0, $4  }
0x20: {  	_ = 	snop  }
0x21: {  	s11 =	sadd.s32 s11, s13;
	s12 =	simm.s32 $0x420;
	[tilespmem:$0x420] =	vst v0  }
0x22: {  	[hbm4b:s11+s2] =	stream.linear.scatter [tilespmem:s12], [sflag:$0x1], $0x200, $0x38;
	[tilespmem:$0x620] =	vst v63  }
0x23: {  	s13 =	sadd.s32 $0xFFFFFFFF, s31;
	_ =	swait.ge [sflag:s3], $0x200  }
.LBB2_1:
0x24: {  	p0 =	sne.s32 s13, $0x1;
	s13 =	sadd.s32 $0xFFFFFFFF, s13;
	[sflag:s3] =	ssyncset.done $0x0  }
0x25: {  	[sflag:s3] =	ssyncadd.s32 $0xFFFFFE00  }
0x26: {  	[tilespmem:s2], [sflag:$0x1] =	stream.linear.gather [hbm4b:s4+s2], $0x200, $0x38;
	[tilespmem:$0x620] =	vst v63  }
0x27: {  	_ =	swait.ge [sflag:s3], $0x200  }
0x28: {  	[sflag:s3] =	ssyncset.done $0x0  }
0x29: {  	[sflag:s3] =	ssyncadd.s32 $0xFFFFFE00  }
0x2a: {  	[tilespmem:s6], [sflag:$0x1] =	stream.linear.gather [hbm4b:s5+s2], $0x200, $0x38;
	[tilespmem:$0x620] =	vst v63  }
0x2b: {  	_ =	swait.ge [sflag:s3], $0x200  }
0x2c: {  	[sflag:s3] =	ssyncset.done $0x0  }
0x2d: {  	[sflag:s3] =	ssyncadd.s32 $0xFFFFFE00  }
0x2e: {  	[tilespmem:s8], [sflag:$0x1] =	stream.linear.gather [hbm4b:s7+s2], $0x10, $0x38;
	[tilespmem:$0x620] =	vst v63  }
0x2f: {  	_ =	swait.ge [sflag:s3], $0x10  }
0x30: {  	[sflag:s3] =	ssyncset.done $0x0  }
0x31: {  	[sflag:s3] =	ssyncadd.s32 $0xFFFFFFF0  }
0x32: {  	[tilespmem:s10], [sflag:$0x1] =	stream.linear.gather [hbm4b:s9+s2], $0x10, $0x38;
	[tilespmem:$0x620] =	vst v63  }
0x33: {  	_ =	swait.ge [sflag:s3], $0x10  }
0x34: {  	[sflag:s3] =	ssyncset.done $0x0  }
0x35: {  	[sflag:s3] =	ssyncadd.s32 $0xFFFFFFF0  }
0x36: {  	v0 =	vld [tilespmem:$0x400]  }
0x37: {  	v1 =	vld [tilespmem:$0x410];
	_ =	sdelay $0x4  }
.Ltmp1:
0x38: {  	v0 =	vmul.f32 v1, v0;
	(pc) =	sbr.rel @p0 .LBB2_1-.Ltmp1, $4  }
0x39: {  	_ = 	snop  }
0x3a: {  	[tilespmem:$0x420] =	vst v0  }
0x3b: {  	[hbm4b:s11+s2] =	stream.linear.scatter [tilespmem:s12], [sflag:$0x1], $0x200, $0x38;
	[tilespmem:$0x620] =	vst v63  }
0x3c: {  	_ =	swait.ge [sflag:s3], $0x200  }
.LBB2_2:
0x3d: {  	[sflag:s3] =	ssyncset.done $0x0  }
0x3e: {  	[sflag:s3] =	ssyncadd.s32 $0xFFFFFE00  }
0x3f: {  	_ =	sfence.sel $0x180000  }
0x40: {  	[bflag:$0x0] =	sbarrier.arrive $0xFFFF  }
0x41: {  	p0 =	sne.s32 s1, $0x0;
	_ =	strace $0x90000047  }
0x42: {  	s0 =	sadd.s32 @!p0 $0x100000, s0;
	[bflag:$0x2] =	sbarrier.arrive $0xFFFF  }
0x43: {  	[sflag:s0] =	ssyncadd.tile.s32 @!p0 $0x1;
	_ =	shalt  }
.Lfunc_end2:
_tile_overlayer_lowered:
.L_overlay_start_2:
0x44: {  	(tag) =	ssettag $0x2  }
0x45: {  	s0 =	rddreg [dreg:$0x0];
	s2 =	stileid.u32  }
0x46: {  	s1 =	rddreg [dreg:$0x1];
	p0 =	sne.s32 s2, $0x0  }
0x47: {  	s3 =	rddreg [dreg:$0x2];
	[bflag:$0x3] =	sbarrier.arrive $0xFFFF;
	s2 =	simm.s32 @!p0 $0x1C01  }
0x48: {  	[timem:s3], [sflag:s2] =	dma.local @!p0 [hbm:s0], s1  }
0x49: {  	s0 =	simm.s32 @!p0 $0x1  }
0x4a: {  	_ =	swait.ge @!p0 [sflag:s0], s1  }
0x4b: {  	s1 =	ssub.s32 @!p0 $0x0, s1;
	[sflag:s0] =	ssyncset.done @!p0 $0x0  }
0x4c: {  	[sflag:s0] =	ssyncadd.s32 @!p0 s1  }
0x4d: {  	[bflag:$0x3] =	sbarrier.arrive $0xFFFF  }
0x4e: {  	_ =	shalt  }

</sc_bundles>
